<compile_context>
chip_gen: v7x
topology: tpu7x:2x2x1
jax: 0.10.2.dev20260603
libtpu: 0.0.44.dev20260713+nightly
codegen_flags: <defaults>
</compile_context>

<pallas_src>
import functools

import jax
import jax.numpy as jnp
from jax import lax
from jax.experimental import pallas as pl
from jax.experimental.pallas import tpu as pltpu
from jax.experimental.pallas import tpu_sc as plsc

BATCH = 16384
USER_DIM = 64
CAT_VOCAB = 1000
CAT_DIM = 32
MONTH_DIM = 16
HIDDEN = 128

NC = 2
NS = 16
NW = NC * NS
B_PER_W = BATCH // NW
CHUNK = 128
N_CHUNK = B_PER_W // CHUNK

_sc_mesh = plsc.VectorSubcoreMesh(core_axis_name="c", subcore_axis_name="s")


@functools.partial(
    pl.kernel,
    mesh=_sc_mesh,
    out_type=jax.ShapeDtypeStruct((BATCH, 128), jnp.float32),
    scratch_types=[
        pltpu.VMEM((N_CHUNK, CHUNK), jnp.int32),
        pltpu.VMEM((CHUNK, 128), jnp.float32),
        pltpu.VMEM((CHUNK, 128), jnp.float32),
        pltpu.SemaphoreType.DMA,
    ],
    compiler_params=pltpu.CompilerParams(use_tc_tiling_on_sc=True),
)
def _sc_gather(uid_hbm, ut_hbm, u_out, idx_u, rows0, rows1, sem):
    wid = lax.axis_index("s") * NC + lax.axis_index("c")
    base_row = wid * N_CHUNK
    pltpu.sync_copy(uid_hbm.at[pl.ds(base_row, N_CHUNK)], idx_u)
    bufs = (rows0, rows1)
    base = wid * B_PER_W
    handles = []
    for j in range(N_CHUNK):
        handles.append(pltpu.async_copy(ut_hbm.at[idx_u.at[j]], bufs[j % 2], sem))
        if j >= 1:
            handles[j - 1].wait()
            pltpu.sync_copy(bufs[(j - 1) % 2],
                            u_out.at[pl.ds(base + (j - 1) * CHUNK, CHUNK)])
    handles[N_CHUNK - 1].wait()
    pltpu.sync_copy(bufs[(N_CHUNK - 1) % 2],
                    u_out.at[pl.ds(base + (N_CHUNK - 1) * CHUNK, CHUNK)])


BLK = 2048


def _mlp_body(u_ref, cid_ref, mid_ref, w1u_ref, w1c_ref, catT_ref,
              mt_ref, w1m_ref, b1_ref, w2_ref, b2_ref, o_ref):
    hp = lax.Precision.HIGHEST
    u = u_ref[...][:, :USER_DIM]
    u_h = jnp.dot(u, w1u_ref[...], precision=hp,
                  preferred_element_type=jnp.float32)
    oh_c = (cid_ref[...] == lax.broadcasted_iota(jnp.int32, (1, CAT_VOCAB), 1))
    c_emb = lax.dot_general(oh_c.astype(jnp.float32), catT_ref[...],
                            (((1,), (1,)), ((), ())),
                            precision=hp, preferred_element_type=jnp.float32)
    c_h = jnp.dot(c_emb, w1c_ref[...], precision=hp,
                  preferred_element_type=jnp.float32)
    oh_m = (mid_ref[...] == lax.broadcasted_iota(jnp.int32, (1, MONTH_DIM), 1))
    mt_w = jnp.dot(mt_ref[...], w1m_ref[...], precision=hp,
                   preferred_element_type=jnp.float32)
    m_h = jnp.dot(oh_m.astype(jnp.float32), mt_w, precision=hp,
                  preferred_element_type=jnp.float32)
    h = jnp.maximum(u_h + c_h + m_h + b1_ref[...], 0.0)
    o_ref[...] = (
        jnp.dot(h, w2_ref[...], precision=hp, preferred_element_type=jnp.float32)
        + b2_ref[...]
    )


def _mlp(u_e, cid2, mid2, w1u, w1c, catT, mt16, w1m, b1, w2, b2):
    grid = (BATCH // BLK,)
    return pl.pallas_call(
        _mlp_body,
        grid=grid,
        in_specs=[
            pl.BlockSpec((BLK, 128), lambda i: (i, 0)),
            pl.BlockSpec((BLK, 1), lambda i: (i, 0)),
            pl.BlockSpec((BLK, 1), lambda i: (i, 0)),
            pl.BlockSpec((USER_DIM, HIDDEN), lambda i: (0, 0)),
            pl.BlockSpec((CAT_DIM, HIDDEN), lambda i: (0, 0)),
            pl.BlockSpec((CAT_DIM, CAT_VOCAB), lambda i: (0, 0)),
            pl.BlockSpec((MONTH_DIM, MONTH_DIM), lambda i: (0, 0)),
            pl.BlockSpec((MONTH_DIM, HIDDEN), lambda i: (0, 0)),
            pl.BlockSpec((1, HIDDEN), lambda i: (0, 0)),
            pl.BlockSpec((HIDDEN, USER_DIM), lambda i: (0, 0)),
            pl.BlockSpec((1, USER_DIM), lambda i: (0, 0)),
        ],
        out_specs=pl.BlockSpec((BLK, USER_DIM), lambda i: (i, 0)),
        out_shape=jax.ShapeDtypeStruct((BATCH, USER_DIM), jnp.float32),
        compiler_params=pltpu.CompilerParams(
            dimension_semantics=("arbitrary",),
        ),
    )(u_e, cid2, mid2, w1u, w1c, catT, mt16, w1m, b1, w2, b2)


def kernel(user_id, category_id, month, user_table, cat_table, month_table,
           W1, b1, W2, b2):
    uid = user_id.astype(jnp.int32)
    cid = category_id.astype(jnp.int32)
    mid = month.astype(jnp.int32)
    ut128 = lax.pad(user_table, jnp.float32(0), ((0, 0, 0), (0, 64, 0)))
    catT = cat_table.T
    u_e = _sc_gather(uid.reshape(NW * N_CHUNK, CHUNK), ut128)
    mt16 = jnp.zeros((MONTH_DIM, MONTH_DIM), jnp.float32).at[:12].set(month_table)
    w1t = W1.T
    w1u = w1t[:USER_DIM]
    w1c = w1t[USER_DIM:USER_DIM + CAT_DIM]
    w1m = w1t[USER_DIM + CAT_DIM:]
    return _mlp(u_e, cid.reshape(BATCH, 1), mid.reshape(BATCH, 1),
                w1u, w1c, catT, mt16, w1m,
                b1.reshape(1, HIDDEN), W2.T, b2.reshape(1, USER_DIM))

# --- scband reference (transcript-rebuilt; emitter-appended) ---
"""Pipeline reference for scband-user-tower-24172075942306 (READ-ONLY COPY).

The authoritative reference and input builder live on the scoring server;
editing this copy changes nothing except your own understanding.
"""

import jax, jax.numpy as jnp
import numpy as np

USER_VOCAB = 1000000
CAT_VOCAB = 1000
MONTH_VOCAB = 12
EMBED_DIM = 64
HIDDEN_DIM = 128
BATCH = 16384


def setup_inputs(seed: int = 0) -> dict:
    key = jax.random.key(seed)
    k_uid, k_cid, k_mid, k_ut, k_ct, k_mt, k_w1, k_b1, k_w2, k_b2 = jax.random.split(key, 10)
    user_id = jax.random.randint(k_uid, (BATCH,), 0, USER_VOCAB, dtype=jnp.int64 if jax.config.jax_enable_x64 else jnp.int32)
    category_id = jax.random.randint(k_cid, (BATCH,), 0, CAT_VOCAB, dtype=jnp.int32)
    month = jax.random.randint(k_mid, (BATCH,), 0, MONTH_VOCAB, dtype=jnp.int32)
    user_table = jax.random.normal(k_ut, (USER_VOCAB, EMBED_DIM), dtype=jnp.float32) * 0.02
    cat_table = jax.random.normal(k_ct, (CAT_VOCAB, EMBED_DIM // 2), dtype=jnp.float32) * 0.02
    month_table = jax.random.normal(k_mt, (MONTH_VOCAB, EMBED_DIM // 4), dtype=jnp.float32) * 0.02
    mlp_in = EMBED_DIM + EMBED_DIM // 2 + EMBED_DIM // 4  # 112
    W1 = jax.random.normal(k_w1, (HIDDEN_DIM, mlp_in), dtype=jnp.float32) * (1.0 / np.sqrt(mlp_in))
    b1 = jax.random.normal(k_b1, (HIDDEN_DIM,), dtype=jnp.float32) * 0.01
    W2 = jax.random.normal(k_w2, (EMBED_DIM, HIDDEN_DIM), dtype=jnp.float32) * (1.0 / np.sqrt(HIDDEN_DIM))
    b2 = jax.random.normal(k_b2, (EMBED_DIM,), dtype=jnp.float32) * 0.01
    return {
        "user_id": user_id,
        "category_id": category_id,
        "month": month,
        "user_table": user_table,
        "cat_table": cat_table,
        "month_table": month_table,
        "W1": W1,
        "b1": b1,
        "W2": W2,
        "b2": b2,
    }


def reference(user_id, category_id, month, user_table, cat_table, month_table, W1, b1, W2, b2):
    user_emb = jnp.take(user_table, user_id, axis=0)
    category_emb = jnp.take(cat_table, category_id, axis=0)
    month_emb = jnp.take(month_table, month, axis=0)
    concat_emb = jnp.concatenate([user_emb, category_emb, month_emb], axis=-1)
    h = concat_emb @ W1.T + b1
    h = jax.nn.relu(h)
    # Dropout is identity in eval mode
    out = h @ W2.T + b2
    return out

if __name__ == "__main__":
    import jax
    _d = setup_inputs()
    print(jax.jit(kernel)(*tuple(_d.values())))

</pallas_src>

<mosaic_0001>
#map = affine_map<(d0, d1) -> (0, 0)>
module attributes {stable_mosaic.version = 14 : i64} {
  func.func @_sc_gather(%arg0: i32, %arg1: i32, %arg2: memref<128x128xi32, #tpu.memory_space<hbm>>, %arg3: memref<1000000x128xf32, #tpu.memory_space<hbm>>, %arg4: memref<16384x128xf32, #tpu.memory_space<hbm>>, %arg5: memref<4x128xi32, #tpu.memory_space<vmem>>, %arg6: memref<128x128xf32, #tpu.memory_space<vmem>>, %arg7: memref<128x128xf32, #tpu.memory_space<vmem>>, %arg8: memref<!tpu.dma_semaphore, #tpu.memory_space<semaphore_mem>>) attributes {dimension_semantics = [#tpu.dimension_semantics<core_parallel>, #tpu.dimension_semantics<subcore_parallel>], iteration_bounds = array<i64: 2, 16>, scalar_prefetch = 0 : i64, scratch_operands = 4 : i64, tpu.core_type = #tpu.core_type<sc_vector_subcore>, window_params = [{transform_indices = #map}, {transform_indices = #map}, {transform_indices = #map}]} {
    %mul3A = arith.constant 2 : i32
    %mul3A_0 = arith.muli %arg1, %mul3A : i32
    %add3A = arith.addi %mul3A_0, %arg0 : i32
    %mul3A_1 = arith.constant 4 : i32
    %mul3A_2 = arith.muli %add3A, %mul3A_1 : i32
    "tpu.region"() ({
      %run_scoped3A = tpu.sem_alloc : memref<!tpu.dma_semaphore, #tpu.memory_space<semaphore_mem>>
      %dma_start3A_67 = arith.constant 0 : i32
      %dma_start3A_68 = tpu.memref_slice %arg2[%mul3A_2, %dma_start3A_67] : memref<128x128xi32, #tpu.memory_space<hbm>> -> memref<4x128xi32, #tpu.memory_space<hbm>>
      %dma_start3A_69 = arith.constant 0 : i32
      %dma_start3A_70 = tpu.memref_slice %arg2[%mul3A_2, %dma_start3A_69] : memref<128x128xi32, #tpu.memory_space<hbm>> -> memref<4x128xi32, #tpu.memory_space<hbm>>
      tpu.enqueue_dma source(%dma_start3A_70 : memref<4x128xi32, #tpu.memory_space<hbm>>) target(%arg5 : memref<4x128xi32, #tpu.memory_space<vmem>>) target_semaphore(%run_scoped3A : memref<!tpu.dma_semaphore, #tpu.memory_space<semaphore_mem>>)
      %dma_wait3A_71 = arith.constant 0 : i32
      %dma_wait3A_72 = tpu.memref_slice %arg2[%mul3A_2, %dma_wait3A_71] : memref<128x128xi32, #tpu.memory_space<hbm>> -> memref<4x128xi32, #tpu.memory_space<hbm>>
      %dma_wait3A_73 = arith.constant 0 : i32
      %dma_wait3A_74 = tpu.memref_slice %arg2[%mul3A_2, %dma_wait3A_73] : memref<128x128xi32, #tpu.memory_space<hbm>> -> memref<4x128xi32, #tpu.memory_space<hbm>>
      tpu.wait_dma2 semaphore(%run_scoped3A : memref<!tpu.dma_semaphore, #tpu.memory_space<semaphore_mem>>) src(%dma_wait3A_74 : memref<4x128xi32, #tpu.memory_space<hbm>>) dst(%arg5 : memref<4x128xi32, #tpu.memory_space<vmem>>)
      tpu.yield
    }) : () -> ()
    %mul3A_3 = arith.constant 512 : i32
    %mul3A_4 = arith.muli %add3A, %mul3A_3 : i32
    %dma_start3A = arith.constant 0 : i32
    %dma_start3A_5 = arith.constant 0 : i32
    %dma_start3A_6 = tpu.memref_slice %arg5[%dma_start3A, %dma_start3A_5] : memref<4x128xi32, #tpu.memory_space<vmem>> -> memref<1x128xi32, #tpu.memory_space<vmem>>
    %dma_start3A_7 = tpu.memref_squeeze %dma_start3A_6 : memref<1x128xi32, #tpu.memory_space<vmem>> -> memref<128xi32, #tpu.memory_space<vmem>>
    %dma_start3A_8 = arith.constant 0 : i32
    %dma_start3A_9 = arith.constant 0 : i32
    %dma_start3A_10 = tpu.memref_slice %arg3[%dma_start3A_8, %dma_start3A_9] : memref<1000000x128xf32, #tpu.memory_space<hbm>> -> memref<1000000x128xf32, #tpu.memory_space<hbm>>
    tpu.enqueue_indirect_dma source(%dma_start3A_10 : memref<1000000x128xf32, #tpu.memory_space<hbm>>) target(%arg6 : memref<128x128xf32, #tpu.memory_space<vmem>>) offsets(%dma_start3A_7 : memref<128xi32, #tpu.memory_space<vmem>>) semaphore(%arg8 : memref<!tpu.dma_semaphore, #tpu.memory_space<semaphore_mem>>)
    %dma_start3A_11 = arith.constant 1 : i32
    %dma_start3A_12 = arith.constant 0 : i32
    %dma_start3A_13 = tpu.memref_slice %arg5[%dma_start3A_11, %dma_start3A_12] : memref<4x128xi32, #tpu.memory_space<vmem>> -> memref<1x128xi32, #tpu.memory_space<vmem>>
    %dma_start3A_14 = tpu.memref_squeeze %dma_start3A_13 : memref<1x128xi32, #tpu.memory_space<vmem>> -> memref<128xi32, #tpu.memory_space<vmem>>
    %dma_start3A_15 = arith.constant 0 : i32
    %dma_start3A_16 = arith.constant 0 : i32
    %dma_start3A_17 = tpu.memref_slice %arg3[%dma_start3A_15, %dma_start3A_16] : memref<1000000x128xf32, #tpu.memory_space<hbm>> -> memref<1000000x128xf32, #tpu.memory_space<hbm>>
    tpu.enqueue_indirect_dma source(%dma_start3A_17 : memref<1000000x128xf32, #tpu.memory_space<hbm>>) target(%arg7 : memref<128x128xf32, #tpu.memory_space<vmem>>) offsets(%dma_start3A_14 : memref<128xi32, #tpu.memory_space<vmem>>) semaphore(%arg8 : memref<!tpu.dma_semaphore, #tpu.memory_space<semaphore_mem>>)
    %dma_wait3A = arith.constant 0 : i32
    %dma_wait3A_18 = arith.constant 0 : i32
    %dma_wait3A_19 = tpu.memref_slice %arg5[%dma_wait3A, %dma_wait3A_18] : memref<4x128xi32, #tpu.memory_space<vmem>> -> memref<1x128xi32, #tpu.memory_space<vmem>>
    %dma_wait3A_20 = tpu.memref_squeeze %dma_wait3A_19 : memref<1x128xi32, #tpu.memory_space<vmem>> -> memref<128xi32, #tpu.memory_space<vmem>>
    %dma_wait3A_21 = arith.constant 0 : i32
    %dma_wait3A_22 = arith.constant 0 : i32
    %dma_wait3A_23 = tpu.memref_slice %arg3[%dma_wait3A_21, %dma_wait3A_22] : memref<1000000x128xf32, #tpu.memory_space<hbm>> -> memref<1000000x128xf32, #tpu.memory_space<hbm>>
    tpu.wait_indirect_dma semaphore(%arg8 : memref<!tpu.dma_semaphore, #tpu.memory_space<semaphore_mem>>) src(%dma_wait3A_23 : memref<1000000x128xf32, #tpu.memory_space<hbm>>) dst(%arg6 : memref<128x128xf32, #tpu.memory_space<vmem>>)
    %add3A_24 = arith.constant 0 : i32
    %add3A_25 = arith.addi %mul3A_4, %add3A_24 : i32
    "tpu.region"() ({
      %run_scoped3A = tpu.sem_alloc : memref<!tpu.dma_semaphore, #tpu.memory_space<semaphore_mem>>
      %dma_start3A_67 = arith.constant 0 : i32
      %dma_start3A_68 = tpu.memref_slice %arg4[%add3A_25, %dma_start3A_67] : memref<16384x128xf32, #tpu.memory_space<hbm>> -> memref<128x128xf32, #tpu.memory_space<hbm>>
      %dma_start3A_69 = arith.constant 0 : i32
      %dma_start3A_70 = tpu.memref_slice %arg4[%add3A_25, %dma_start3A_69] : memref<16384x128xf32, #tpu.memory_space<hbm>> -> memref<128x128xf32, #tpu.memory_space<hbm>>
      tpu.enqueue_dma source(%arg6 : memref<128x128xf32, #tpu.memory_space<vmem>>) target(%dma_start3A_70 : memref<128x128xf32, #tpu.memory_space<hbm>>) target_semaphore(%run_scoped3A : memref<!tpu.dma_semaphore, #tpu.memory_space<semaphore_mem>>)
      %dma_wait3A_71 = arith.constant 0 : i32
      %dma_wait3A_72 = tpu.memref_slice %arg4[%add3A_25, %dma_wait3A_71] : memref<16384x128xf32, #tpu.memory_space<hbm>> -> memref<128x128xf32, #tpu.memory_space<hbm>>
      %dma_wait3A_73 = arith.constant 0 : i32
      %dma_wait3A_74 = tpu.memref_slice %arg4[%add3A_25, %dma_wait3A_73] : memref<16384x128xf32, #tpu.memory_space<hbm>> -> memref<128x128xf32, #tpu.memory_space<hbm>>
      tpu.wait_dma2 semaphore(%run_scoped3A : memref<!tpu.dma_semaphore, #tpu.memory_space<semaphore_mem>>) src(%arg6 : memref<128x128xf32, #tpu.memory_space<vmem>>) dst(%dma_wait3A_74 : memref<128x128xf32, #tpu.memory_space<hbm>>)
      tpu.yield
    }) : () -> ()
    %dma_start3A_26 = arith.constant 2 : i32
    %dma_start3A_27 = arith.constant 0 : i32
    %dma_start3A_28 = tpu.memref_slice %arg5[%dma_start3A_26, %dma_start3A_27] : memref<4x128xi32, #tpu.memory_space<vmem>> -> memref<1x128xi32, #tpu.memory_space<vmem>>
    %dma_start3A_29 = tpu.memref_squeeze %dma_start3A_28 : memref<1x128xi32, #tpu.memory_space<vmem>> -> memref<128xi32, #tpu.memory_space<vmem>>
    %dma_start3A_30 = arith.constant 0 : i32
    %dma_start3A_31 = arith.constant 0 : i32
    %dma_start3A_32 = tpu.memref_slice %arg3[%dma_start3A_30, %dma_start3A_31] : memref<1000000x128xf32, #tpu.memory_space<hbm>> -> memref<1000000x128xf32, #tpu.memory_space<hbm>>
    tpu.enqueue_indirect_dma source(%dma_start3A_32 : memref<1000000x128xf32, #tpu.memory_space<hbm>>) target(%arg6 : memref<128x128xf32, #tpu.memory_space<vmem>>) offsets(%dma_start3A_29 : memref<128xi32, #tpu.memory_space<vmem>>) semaphore(%arg8 : memref<!tpu.dma_semaphore, #tpu.memory_space<semaphore_mem>>)
    %dma_wait3A_33 = arith.constant 1 : i32
    %dma_wait3A_34 = arith.constant 0 : i32
    %dma_wait3A_35 = tpu.memref_slice %arg5[%dma_wait3A_33, %dma_wait3A_34] : memref<4x128xi32, #tpu.memory_space<vmem>> -> memref<1x128xi32, #tpu.memory_space<vmem>>
    %dma_wait3A_36 = tpu.memref_squeeze %dma_wait3A_35 : memref<1x128xi32, #tpu.memory_space<vmem>> -> memref<128xi32, #tpu.memory_space<vmem>>
    %dma_wait3A_37 = arith.constant 0 : i32
    %dma_wait3A_38 = arith.constant 0 : i32
    %dma_wait3A_39 = tpu.memref_slice %arg3[%dma_wait3A_37, %dma_wait3A_38] : memref<1000000x128xf32, #tpu.memory_space<hbm>> -> memref<1000000x128xf32, #tpu.memory_space<hbm>>
    tpu.wait_indirect_dma semaphore(%arg8 : memref<!tpu.dma_semaphore, #tpu.memory_space<semaphore_mem>>) src(%dma_wait3A_39 : memref<1000000x128xf32, #tpu.memory_space<hbm>>) dst(%arg7 : memref<128x128xf32, #tpu.memory_space<vmem>>)
    %add3A_40 = arith.constant 128 : i32
    %add3A_41 = arith.addi %mul3A_4, %add3A_40 : i32
    "tpu.region"() ({
      %run_scoped3A = tpu.sem_alloc : memref<!tpu.dma_semaphore, #tpu.memory_space<semaphore_mem>>
      %dma_start3A_67 = arith.constant 0 : i32
      %dma_start3A_68 = tpu.memref_slice %arg4[%add3A_41, %dma_start3A_67] : memref<16384x128xf32, #tpu.memory_space<hbm>> -> memref<128x128xf32, #tpu.memory_space<hbm>>
      %dma_start3A_69 = arith.constant 0 : i32
      %dma_start3A_70 = tpu.memref_slice %arg4[%add3A_41, %dma_start3A_69] : memref<16384x128xf32, #tpu.memory_space<hbm>> -> memref<128x128xf32, #tpu.memory_space<hbm>>
      tpu.enqueue_dma source(%arg7 : memref<128x128xf32, #tpu.memory_space<vmem>>) target(%dma_start3A_70 : memref<128x128xf32, #tpu.memory_space<hbm>>) target_semaphore(%run_scoped3A : memref<!tpu.dma_semaphore, #tpu.memory_space<semaphore_mem>>)
      %dma_wait3A_71 = arith.constant 0 : i32
      %dma_wait3A_72 = tpu.memref_slice %arg4[%add3A_41, %dma_wait3A_71] : memref<16384x128xf32, #tpu.memory_space<hbm>> -> memref<128x128xf32, #tpu.memory_space<hbm>>
      %dma_wait3A_73 = arith.constant 0 : i32
      %dma_wait3A_74 = tpu.memref_slice %arg4[%add3A_41, %dma_wait3A_73] : memref<16384x128xf32, #tpu.memory_space<hbm>> -> memref<128x128xf32, #tpu.memory_space<hbm>>
      tpu.wait_dma2 semaphore(%run_scoped3A : memref<!tpu.dma_semaphore, #tpu.memory_space<semaphore_mem>>) src(%arg7 : memref<128x128xf32, #tpu.memory_space<vmem>>) dst(%dma_wait3A_74 : memref<128x128xf32, #tpu.memory_space<hbm>>)
      tpu.yield
    }) : () -> ()
    %dma_start3A_42 = arith.constant 3 : i32
    %dma_start3A_43 = arith.constant 0 : i32
    %dma_start3A_44 = tpu.memref_slice %arg5[%dma_start3A_42, %dma_start3A_43] : memref<4x128xi32, #tpu.memory_space<vmem>> -> memref<1x128xi32, #tpu.memory_space<vmem>>
    %dma_start3A_45 = tpu.memref_squeeze %dma_start3A_44 : memref<1x128xi32, #tpu.memory_space<vmem>> -> memref<128xi32, #tpu.memory_space<vmem>>
    %dma_start3A_46 = arith.constant 0 : i32
    %dma_start3A_47 = arith.constant 0 : i32
    %dma_start3A_48 = tpu.memref_slice %arg3[%dma_start3A_46, %dma_start3A_47] : memref<1000000x128xf32, #tpu.memory_space<hbm>> -> memref<1000000x128xf32, #tpu.memory_space<hbm>>
    tpu.enqueue_indirect_dma source(%dma_start3A_48 : memref<1000000x128xf32, #tpu.memory_space<hbm>>) target(%arg7 : memref<128x128xf32, #tpu.memory_space<vmem>>) offsets(%dma_start3A_45 : memref<128xi32, #tpu.memory_space<vmem>>) semaphore(%arg8 : memref<!tpu.dma_semaphore, #tpu.memory_space<semaphore_mem>>)
    %dma_wait3A_49 = arith.constant 2 : i32
    %dma_wait3A_50 = arith.constant 0 : i32
    %dma_wait3A_51 = tpu.memref_slice %arg5[%dma_wait3A_49, %dma_wait3A_50] : memref<4x128xi32, #tpu.memory_space<vmem>> -> memref<1x128xi32, #tpu.memory_space<vmem>>
    %dma_wait3A_52 = tpu.memref_squeeze %dma_wait3A_51 : memref<1x128xi32, #tpu.memory_space<vmem>> -> memref<128xi32, #tpu.memory_space<vmem>>
    %dma_wait3A_53 = arith.constant 0 : i32
    %dma_wait3A_54 = arith.constant 0 : i32
    %dma_wait3A_55 = tpu.memref_slice %arg3[%dma_wait3A_53, %dma_wait3A_54] : memref<1000000x128xf32, #tpu.memory_space<hbm>> -> memref<1000000x128xf32, #tpu.memory_space<hbm>>
    tpu.wait_indirect_dma semaphore(%arg8 : memref<!tpu.dma_semaphore, #tpu.memory_space<semaphore_mem>>) src(%dma_wait3A_55 : memref<1000000x128xf32, #tpu.memory_space<hbm>>) dst(%arg6 : memref<128x128xf32, #tpu.memory_space<vmem>>)
    %add3A_56 = arith.constant 256 : i32
    %add3A_57 = arith.addi %mul3A_4, %add3A_56 : i32
    "tpu.region"() ({
      %run_scoped3A = tpu.sem_alloc : memref<!tpu.dma_semaphore, #tpu.memory_space<semaphore_mem>>
      %dma_start3A_67 = arith.constant 0 : i32
      %dma_start3A_68 = tpu.memref_slice %arg4[%add3A_57, %dma_start3A_67] : memref<16384x128xf32, #tpu.memory_space<hbm>> -> memref<128x128xf32, #tpu.memory_space<hbm>>
      %dma_start3A_69 = arith.constant 0 : i32
      %dma_start3A_70 = tpu.memref_slice %arg4[%add3A_57, %dma_start3A_69] : memref<16384x128xf32, #tpu.memory_space<hbm>> -> memref<128x128xf32, #tpu.memory_space<hbm>>
      tpu.enqueue_dma source(%arg6 : memref<128x128xf32, #tpu.memory_space<vmem>>) target(%dma_start3A_70 : memref<128x128xf32, #tpu.memory_space<hbm>>) target_semaphore(%run_scoped3A : memref<!tpu.dma_semaphore, #tpu.memory_space<semaphore_mem>>)
      %dma_wait3A_71 = arith.constant 0 : i32
      %dma_wait3A_72 = tpu.memref_slice %arg4[%add3A_57, %dma_wait3A_71] : memref<16384x128xf32, #tpu.memory_space<hbm>> -> memref<128x128xf32, #tpu.memory_space<hbm>>
      %dma_wait3A_73 = arith.constant 0 : i32
      %dma_wait3A_74 = tpu.memref_slice %arg4[%add3A_57, %dma_wait3A_73] : memref<16384x128xf32, #tpu.memory_space<hbm>> -> memref<128x128xf32, #tpu.memory_space<hbm>>
      tpu.wait_dma2 semaphore(%run_scoped3A : memref<!tpu.dma_semaphore, #tpu.memory_space<semaphore_mem>>) src(%arg6 : memref<128x128xf32, #tpu.memory_space<vmem>>) dst(%dma_wait3A_74 : memref<128x128xf32, #tpu.memory_space<hbm>>)
      tpu.yield
    }) : () -> ()
    %dma_wait3A_58 = arith.constant 3 : i32
    %dma_wait3A_59 = arith.constant 0 : i32
    %dma_wait3A_60 = tpu.memref_slice %arg5[%dma_wait3A_58, %dma_wait3A_59] : memref<4x128xi32, #tpu.memory_space<vmem>> -> memref<1x128xi32, #tpu.memory_space<vmem>>
    %dma_wait3A_61 = tpu.memref_squeeze %dma_wait3A_60 : memref<1x128xi32, #tpu.memory_space<vmem>> -> memref<128xi32, #tpu.memory_space<vmem>>
    %dma_wait3A_62 = arith.constant 0 : i32
    %dma_wait3A_63 = arith.constant 0 : i32
    %dma_wait3A_64 = tpu.memref_slice %arg3[%dma_wait3A_62, %dma_wait3A_63] : memref<1000000x128xf32, #tpu.memory_space<hbm>> -> memref<1000000x128xf32, #tpu.memory_space<hbm>>
    tpu.wait_indirect_dma semaphore(%arg8 : memref<!tpu.dma_semaphore, #tpu.memory_space<semaphore_mem>>) src(%dma_wait3A_64 : memref<1000000x128xf32, #tpu.memory_space<hbm>>) dst(%arg7 : memref<128x128xf32, #tpu.memory_space<vmem>>)
    %add3A_65 = arith.constant 384 : i32
    %add3A_66 = arith.addi %mul3A_4, %add3A_65 : i32
    "tpu.region"() ({
      %run_scoped3A = tpu.sem_alloc : memref<!tpu.dma_semaphore, #tpu.memory_space<semaphore_mem>>
      %dma_start3A_67 = arith.constant 0 : i32
      %dma_start3A_68 = tpu.memref_slice %arg4[%add3A_66, %dma_start3A_67] : memref<16384x128xf32, #tpu.memory_space<hbm>> -> memref<128x128xf32, #tpu.memory_space<hbm>>
      %dma_start3A_69 = arith.constant 0 : i32
      %dma_start3A_70 = tpu.memref_slice %arg4[%add3A_66, %dma_start3A_69] : memref<16384x128xf32, #tpu.memory_space<hbm>> -> memref<128x128xf32, #tpu.memory_space<hbm>>
      tpu.enqueue_dma source(%arg7 : memref<128x128xf32, #tpu.memory_space<vmem>>) target(%dma_start3A_70 : memref<128x128xf32, #tpu.memory_space<hbm>>) target_semaphore(%run_scoped3A : memref<!tpu.dma_semaphore, #tpu.memory_space<semaphore_mem>>)
      %dma_wait3A_71 = arith.constant 0 : i32
      %dma_wait3A_72 = tpu.memref_slice %arg4[%add3A_66, %dma_wait3A_71] : memref<16384x128xf32, #tpu.memory_space<hbm>> -> memref<128x128xf32, #tpu.memory_space<hbm>>
      %dma_wait3A_73 = arith.constant 0 : i32
      %dma_wait3A_74 = tpu.memref_slice %arg4[%add3A_66, %dma_wait3A_73] : memref<16384x128xf32, #tpu.memory_space<hbm>> -> memref<128x128xf32, #tpu.memory_space<hbm>>
      tpu.wait_dma2 semaphore(%run_scoped3A : memref<!tpu.dma_semaphore, #tpu.memory_space<semaphore_mem>>) src(%arg7 : memref<128x128xf32, #tpu.memory_space<vmem>>) dst(%dma_wait3A_74 : memref<128x128xf32, #tpu.memory_space<hbm>>)
      tpu.yield
    }) : () -> ()
    return
  }
}

module attributes {stable_mosaic.version = 14 : i64} {
  func.func @_mlp_body(%arg0: i32, %arg1: memref<2048x128xf32, #tpu.memory_space<vmem>>, %arg2: memref<2048x1xi32, #tpu.memory_space<vmem>>, %arg3: memref<2048x1xi32, #tpu.memory_space<vmem>>, %arg4: memref<64x128xf32, #tpu.memory_space<vmem>>, %arg5: memref<32x128xf32, #tpu.memory_space<vmem>>, %arg6: memref<32x1000xf32, #tpu.memory_space<vmem>>, %arg7: memref<16x16xf32, #tpu.memory_space<vmem>>, %arg8: memref<16x128xf32, #tpu.memory_space<vmem>>, %arg9: memref<1x128xf32, #tpu.memory_space<vmem>>, %arg10: memref<128x64xf32, #tpu.memory_space<vmem>>, %arg11: memref<1x64xf32, #tpu.memory_space<vmem>>, %arg12: memref<2048x64xf32, #tpu.memory_space<vmem>>) attributes {dimension_semantics = [#tpu.dimension_semantics<arbitrary>], iteration_bounds = array<i64: 8>, scalar_prefetch = 0 : i64, scratch_operands = 0 : i64, tpu.core_type = #tpu.core_type<tc>, window_params = [{transform_indices = @transform_0, window_bounds = array<i64: 2048, 128>}, {transform_indices = @transform_1, window_bounds = array<i64: 2048, 1>}, {transform_indices = @transform_2, window_bounds = array<i64: 2048, 1>}, {pipeline_mode = #tpu.pipeline_mode<synchronous>, transform_indices = @transform_3, window_bounds = array<i64: 64, 128>}, {pipeline_mode = #tpu.pipeline_mode<synchronous>, transform_indices = @transform_4, window_bounds = array<i64: 32, 128>}, {pipeline_mode = #tpu.pipeline_mode<synchronous>, transform_indices = @transform_5, window_bounds = array<i64: 32, 1000>}, {pipeline_mode = #tpu.pipeline_mode<synchronous>, transform_indices = @transform_6, window_bounds = array<i64: 16, 16>}, {pipeline_mode = #tpu.pipeline_mode<synchronous>, transform_indices = @transform_7, window_bounds = array<i64: 16, 128>}, {pipeline_mode = #tpu.pipeline_mode<synchronous>, transform_indices = @transform_8, window_bounds = array<i64: 1, 128>}, {pipeline_mode = #tpu.pipeline_mode<synchronous>, transform_indices = @transform_9, window_bounds = array<i64: 128, 64>}, {pipeline_mode = #tpu.pipeline_mode<synchronous>, transform_indices = @transform_10, window_bounds = array<i64: 1, 64>}, {transform_indices = @transform_11, window_bounds = array<i64: 2048, 64>}]} {
    %get3A = arith.constant 0 : index
    %get3A_0 = arith.constant 0 : index
    %get3A_1 = vector.load %arg1[%get3A, %get3A_0] : memref<2048x128xf32, #tpu.memory_space<vmem>>, vector<2048x128xf32>
    %slice3A = vector.extract_strided_slice %get3A_1 {offsets = [0, 0], sizes = [2048, 64], strides = [1, 1]} : vector<2048x128xf32> to vector<2048x64xf32>
    %get3A_2 = arith.constant 0 : index
    %get3A_3 = arith.constant 0 : index
    %get3A_4 = vector.load %arg4[%get3A_2, %get3A_3] : memref<64x128xf32, #tpu.memory_space<vmem>>, vector<64x128xf32>
    %dot_general3A = arith.constant dense<0.000000e+00> : vector<2048x128xf32>
    %dot_general3A_5 = tpu.matmul %slice3A, %get3A_4, %dot_general3A {dimension_numbers = #tpu.dot_dimension_numbers<[1], [0], [0], [1], [0, 0, 1, 1], [], []>, precision = #tpu.contract_precision<fp32>, transpose_lhs_hint = false} : vector<2048x64xf32>, vector<64x128xf32>, vector<2048x128xf32> -> vector<2048x128xf32>
    %get3A_6 = arith.constant 0 : index
    %get3A_7 = arith.constant 0 : index
    %get3A_8 = vector.load %arg2[%get3A_6, %get3A_7] : memref<2048x1xi32, #tpu.memory_space<vmem>>, vector<2048x1xi32>
    %iota3A = tpu.iota {dimensions = array<i32: 1>} : vector<1x1000xi32>
    %eq3A = vector.broadcast %get3A_8 : vector<2048x1xi32> to vector<2048x1000xi32>
    %eq3A_9 = vector.broadcast %iota3A : vector<1x1000xi32> to vector<2048x1000xi32>
    %eq3A_10 = arith.cmpi eq, %eq3A, %eq3A_9 : vector<2048x1000xi32>
    %convert_element_type3A = arith.extui %eq3A_10 : vector<2048x1000xi1> to vector<2048x1000xi32>
    %convert_element_type3A_11 = arith.sitofp %convert_element_type3A : vector<2048x1000xi32> to vector<2048x1000xf32>
    %get3A_12 = arith.constant 0 : index
    %get3A_13 = arith.constant 0 : index
    %get3A_14 = vector.load %arg6[%get3A_12, %get3A_13] : memref<32x1000xf32, #tpu.memory_space<vmem>>, vector<32x1000xf32>
    %dot_general3A_15 = arith.constant dense<0.000000e+00> : vector<2048x32xf32>
    %dot_general3A_16 = tpu.matmul %convert_element_type3A_11, %get3A_14, %dot_general3A_15 {dimension_numbers = #tpu.dot_dimension_numbers<[1], [1], [0], [0], [0, 0, 1, 0], [], []>, precision = #tpu.contract_precision<fp32>, transpose_lhs_hint = false} : vector<2048x1000xf32>, vector<32x1000xf32>, vector<2048x32xf32> -> vector<2048x32xf32>
    %get3A_17 = arith.constant 0 : index
    %get3A_18 = arith.constant 0 : index
    %get3A_19 = vector.load %arg5[%get3A_17, %get3A_18] : memref<32x128xf32, #tpu.memory_space<vmem>>, vector<32x128xf32>
    %dot_general3A_20 = arith.constant dense<0.000000e+00> : vector<2048x128xf32>
    %dot_general3A_21 = tpu.matmul %dot_general3A_16, %get3A_19, %dot_general3A_20 {dimension_numbers = #tpu.dot_dimension_numbers<[1], [0], [0], [1], [0, 0, 1, 1], [], []>, precision = #tpu.contract_precision<fp32>, transpose_lhs_hint = false} : vector<2048x32xf32>, vector<32x128xf32>, vector<2048x128xf32> -> vector<2048x128xf32>
    %get3A_22 = arith.constant 0 : index
    %get3A_23 = arith.constant 0 : index
    %get3A_24 = vector.load %arg3[%get3A_22, %get3A_23] : memref<2048x1xi32, #tpu.memory_space<vmem>>, vector<2048x1xi32>
    %iota3A_25 = tpu.iota {dimensions = array<i32: 1>} : vector<1x16xi32>
    %eq3A_26 = vector.broadcast %get3A_24 : vector<2048x1xi32> to vector<2048x16xi32>
    %eq3A_27 = vector.broadcast %iota3A_25 : vector<1x16xi32> to vector<2048x16xi32>
    %eq3A_28 = arith.cmpi eq, %eq3A_26, %eq3A_27 : vector<2048x16xi32>
    %get3A_29 = arith.constant 0 : index
    %get3A_30 = arith.constant 0 : index
    %get3A_31 = vector.load %arg7[%get3A_29, %get3A_30] : memref<16x16xf32, #tpu.memory_space<vmem>>, vector<16x16xf32>
    %get3A_32 = arith.constant 0 : index
    %get3A_33 = arith.constant 0 : index
    %get3A_34 = vector.load %arg8[%get3A_32, %get3A_33] : memref<16x128xf32, #tpu.memory_space<vmem>>, vector<16x128xf32>
    %dot_general3A_35 = arith.constant dense<0.000000e+00> : vector<16x128xf32>
    %dot_general3A_36 = tpu.matmul %get3A_31, %get3A_34, %dot_general3A_35 {dimension_numbers = #tpu.dot_dimension_numbers<[1], [0], [0], [1], [0, 0, 1, 1], [], []>, precision = #tpu.contract_precision<fp32>, transpose_lhs_hint = false} : vector<16x16xf32>, vector<16x128xf32>, vector<16x128xf32> -> vector<16x128xf32>
    %convert_element_type3A_37 = arith.extui %eq3A_28 : vector<2048x16xi1> to vector<2048x16xi32>
    %convert_element_type3A_38 = arith.sitofp %convert_element_type3A_37 : vector<2048x16xi32> to vector<2048x16xf32>
    %dot_general3A_39 = arith.constant dense<0.000000e+00> : vector<2048x128xf32>
    %dot_general3A_40 = tpu.matmul %convert_element_type3A_38, %dot_general3A_36, %dot_general3A_39 {dimension_numbers = #tpu.dot_dimension_numbers<[1], [0], [0], [1], [0, 0, 1, 1], [], []>, precision = #tpu.contract_precision<fp32>, transpose_lhs_hint = false} : vector<2048x16xf32>, vector<16x128xf32>, vector<2048x128xf32> -> vector<2048x128xf32>
    %add3A = arith.addf %dot_general3A_5, %dot_general3A_21 : vector<2048x128xf32>
    %add3A_41 = arith.addf %add3A, %dot_general3A_40 : vector<2048x128xf32>
    %get3A_42 = arith.constant 0 : index
    %get3A_43 = arith.constant 0 : index
    %get3A_44 = vector.load %arg9[%get3A_42, %get3A_43] : memref<1x128xf32, #tpu.memory_space<vmem>>, vector<1x128xf32>
    %add3A_45 = vector.broadcast %get3A_44 : vector<1x128xf32> to vector<2048x128xf32>
    %add3A_46 = arith.addf %add3A_41, %add3A_45 : vector<2048x128xf32>
    %max3A = arith.constant 0.000000e+00 : f32
    %max3A_47 = vector.broadcast %max3A : f32 to vector<2048x128xf32>
    %max3A_48 = arith.maximumf %add3A_46, %max3A_47 : vector<2048x128xf32>
    %get3A_49 = arith.constant 0 : index
    %get3A_50 = arith.constant 0 : index
    %get3A_51 = vector.load %arg10[%get3A_49, %get3A_50] : memref<128x64xf32, #tpu.memory_space<vmem>>, vector<128x64xf32>
    %dot_general3A_52 = arith.constant dense<0.000000e+00> : vector<2048x64xf32>
    %dot_general3A_53 = tpu.matmul %max3A_48, %get3A_51, %dot_general3A_52 {dimension_numbers = #tpu.dot_dimension_numbers<[1], [0], [0], [1], [0, 0, 1, 1], [], []>, precision = #tpu.contract_precision<fp32>, transpose_lhs_hint = false} : vector<2048x128xf32>, vector<128x64xf32>, vector<2048x64xf32> -> vector<2048x64xf32>
    %get3A_54 = arith.constant 0 : index
    %get3A_55 = arith.constant 0 : index
    %get3A_56 = vector.load %arg11[%get3A_54, %get3A_55] : memref<1x64xf32, #tpu.memory_space<vmem>>, vector<1x64xf32>
    %add3A_57 = vector.broadcast %get3A_56 : vector<1x64xf32> to vector<2048x64xf32>
    %add3A_58 = arith.addf %dot_general3A_53, %add3A_57 : vector<2048x64xf32>
    %swap3A = arith.constant 0 : index
    %swap3A_59 = arith.constant 0 : index
    %swap3A_60 = vector.load %arg12[%swap3A, %swap3A_59] : memref<2048x64xf32, #tpu.memory_space<vmem>>, vector<2048x64xf32>
    tpu.vector_store %arg12[%swap3A, %swap3A_59], %add3A_58 {strides = array<i32>} : memref<2048x64xf32, #tpu.memory_space<vmem>>, vector<2048x64xf32>,
    return
  }
  func.func @transform_0(%arg0: i32) -> (i32, i32) {
    %c0_i32 = arith.constant 0 : i32
    %c0_i32_0 = arith.constant 0 : i32
    return %arg0, %c0_i32 : i32, i32
  }
  func.func @transform_1(%arg0: i32) -> (i32, i32) {
    %c0_i32 = arith.constant 0 : i32
    %c0_i32_0 = arith.constant 0 : i32
    return %arg0, %c0_i32 : i32, i32
  }
  func.func @transform_2(%arg0: i32) -> (i32, i32) {
    %c0_i32 = arith.constant 0 : i32
    %c0_i32_0 = arith.constant 0 : i32
    return %arg0, %c0_i32 : i32, i32
  }
  func.func @transform_3(%arg0: i32) -> (i32, i32) {
    %c0_i32 = arith.constant 0 : i32
    %c0_i32_0 = arith.constant 0 : i32
    %c0_i32_1 = arith.constant 0 : i32
    return %c0_i32, %c0_i32_0 : i32, i32
  }
  func.func @transform_4(%arg0: i32) -> (i32, i32) {
    %c0_i32 = arith.constant 0 : i32
    %c0_i32_0 = arith.constant 0 : i32
    %c0_i32_1 = arith.constant 0 : i32
    return %c0_i32, %c0_i32_0 : i32, i32
  }
  func.func @transform_5(%arg0: i32) -> (i32, i32) {
    %c0_i32 = arith.constant 0 : i32
    %c0_i32_0 = arith.constant 0 : i32
    %c0_i32_1 = arith.constant 0 : i32
    return %c0_i32, %c0_i32_0 : i32, i32
  }
  func.func @transform_6(%arg0: i32) -> (i32, i32) {
    %c0_i32 = arith.constant 0 : i32
    %c0_i32_0 = arith.constant 0 : i32
    %c0_i32_1 = arith.constant 0 : i32
    return %c0_i32, %c0_i32_0 : i32, i32
  }
  func.func @transform_7(%arg0: i32) -> (i32, i32) {
    %c0_i32 = arith.constant 0 : i32
    %c0_i32_0 = arith.constant 0 : i32
    %c0_i32_1 = arith.constant 0 : i32
    return %c0_i32, %c0_i32_0 : i32, i32
  }
  func.func @transform_8(%arg0: i32) -> (i32, i32) {
    %c0_i32 = arith.constant 0 : i32
    %c0_i32_0 = arith.constant 0 : i32
    %c0_i32_1 = arith.constant 0 : i32
    return %c0_i32, %c0_i32_0 : i32, i32
  }
  func.func @transform_9(%arg0: i32) -> (i32, i32) {
    %c0_i32 = arith.constant 0 : i32
    %c0_i32_0 = arith.constant 0 : i32
    %c0_i32_1 = arith.constant 0 : i32
    return %c0_i32, %c0_i32_0 : i32, i32
  }
  func.func @transform_10(%arg0: i32) -> (i32, i32) {
    %c0_i32 = arith.constant 0 : i32
    %c0_i32_0 = arith.constant 0 : i32
    %c0_i32_1 = arith.constant 0 : i32
    return %c0_i32, %c0_i32_0 : i32, i32
  }
  func.func @transform_11(%arg0: i32) -> (i32, i32) {
    %c0_i32 = arith.constant 0 : i32
    %c0_i32_0 = arith.constant 0 : i32
    return %arg0, %c0_i32 : i32, i32
  }
}

</mosaic_0001>

<sc_bundles>
// kernel: kernel.4.cloned.1.call-start
scs
__scs_entry_jumppad:
0x0: {  	(pc) =	sbr.rel $0x88, $3  }
0x1: {  	(tag) =	ssettag $0x0;
	lr =	simm.s32 $0x1  }
0x2: {  	[smem:$0x3F97] =	sst lr;
	_ =	strace $0xD0000000  }
0x3: {  	_ = 	snop  }
0x4: {  	_ = 	snop  }
0x5: {  	_ = 	snop  }
0x6: {  	_ = 	snop  }
0x7: {  	_ = 	snop  }
__scs_overlays_trampoline_lowered:
0x8: {  	[smem:$0x3FA6] =	sst s0  }
0x9: {  	[smem:$0x3FA7] =	sst s1  }
0xa: {  	[smem:$0x3FA8] =	sst s2  }
0xb: {  	[smem:$0x3FA9] =	sst s3  }
0xc: {  	[smem:$0x3FAA] =	sst s4  }
0xd: {  	[smem:$0x3FAB] =	sst s5  }
0xe: {  	[smem:$0x3FAC] =	sst s6  }
0xf: {  	[smem:$0x3FAD] =	sst s7  }
0x10: {  	[smem:$0x3FAE] =	sst s8  }
0x11: {  	[smem:$0x3FAF] =	sst s9;
	s0 =	simm.s32 @!p0 $0x0  }
0x12: {  	s1 =	sld [smem:$0x3F95];
	s0 =	simm.s32 @p0 $0x1  }
0x13: {  	[smem:$0x3FB0] =	sst s0;
	s0 =	simm.s32 @!p1 $0x0  }
0x14: {  	s2 =	sld [smem:$0x3F94];
	s0 =	simm.s32 @p1 $0x1  }
0x15: {  	[smem:$0x3FB1] =	sst s0;
	s0 =	simm.s32 @!p2 $0x0  }
0x16: {  	s3 =	sld [smem:$0x3FDB];
	s0 =	simm.s32 @p2 $0x1  }
0x17: {  	s4 =	simm.s32 $0x1BF5;
	[smem:$0x3FB3] =	sst s0  }
0x18: {  	s0 =	sld [smem:$0x3F96];
	_ =	swait.ge [sflag:s4], $0x0  }
0x19: {  	s7 =	sld [smem:$0x3F97]  }
0x1a: {  	s8 =	sadd.s32 $0xFFFFE003, lr  }
0x1b: {  	s9 =	sadd.s32 $0xFFFFFEF7, lr;
	s5 =	simm.s32 $0xFFFFFFFF;
	p2 =	slt.u32 s8, $0xFFFFF086  }
0x1c: {  	p1 =	slt.u32 s9, $0xF7A;
	s5 =	simm.s32 @!p2 $0x0  }
0x1d: {  	s5 =	simm.s32 @p1 $0x1;
	p0 =	seq.s32 s7, s2  }
0x1e: {  	s7 =	smul.u32 @!p0 $0xF7A, s2;
	p2 =	seq.s32 @!p0 s5, $0x0  }
0x1f: {  	s9 =	smul.u32 $0xF7A, s1;
	s8 =	simm.s32 @!p0 $0x1BF5;
	p2 =	por !p2, p0  }
0x20: {  	[sflag:s8] =	ssyncset.s32 @!p0 $0xFFFFF086;
	s6 =	sadd.s32 @!p0 s3, s7;
	s7 =	simm.s32 @!p0 $0x108  }
0x21: {  	s3 =	sadd.s32 s3, s9;
	s6 =	sadd.s32 @!p0 $0x88, s6;
	s7 =	simm.s32 @p2 $0x1082  }
0x22: {  	[simem:s7], [sflag:s8] =	dma.local @!p0 [hbm:s6], $0xF7A  }
0x23: {  	s9 =	sor.u32 $0xD0000000, s2;
	s6 =	simm.s32 $0x108;
	_ =	swait.ge @!p0 [sflag:s8], $0x0  }
0x24: {  	s3 =	sadd.s32 $0x88, s3;
	s6 =	simm.s32 @!p1 $0x1082;
	[sflag:s4] =	ssyncset.s32 $0xFFFFF086  }
0x25: {  	[simem:s6], [sflag:s4] =	dma.local [hbm:s3], $0xF7A  }
0x26: {  	[smem:$0x3F97] =	sst s1;
	(tag) =	ssettag s2;
	_ =	strace s9  }
0x27: {  	s1 =	sld [smem:$0x3FA7]  }
0x28: {  	s2 =	sld [smem:$0x3FA8]  }
0x29: {  	s4 =	sld [smem:$0x3FAA]  }
0x2a: {  	p0 =	seq.s32 s5, $0x0;
	s5 =	sld [smem:$0x3FAB]  }
0x2b: {  	s6 =	sld [smem:$0x3FAC]  }
0x2c: {  	s7 =	sld [smem:$0x3FAD]  }
0x2d: {  	s3 =	simm.s32 $0x108;
	s8 =	sld [smem:$0x3FAE]  }
0x2e: {  	s3 =	simm.s32 @!p0 $0x1082;
	s9 =	sld [smem:$0x3FAF]  }
0x2f: {  	lr =	sadd.s32 s0, s3;
	s0 =	sld [smem:$0x3FA6]  }
0x30: {  	s3 =	sld [smem:$0x3FA9]  }
0x31: {  	[smem:$0x3FB2] =	sst s10  }
0x32: {  	s10 =	sld [smem:$0x3FB0];
	_ =	sdelay $0x3  }
0x33: {  	p0 =	seq.s32 s10, $0x1;
	s10 =	sld [smem:$0x3FB2];
	_ =	sdelay $0x3  }
0x34: {  	[smem:$0x3FB2] =	sst s10  }
0x35: {  	s10 =	sld [smem:$0x3FB1];
	_ =	sdelay $0x3  }
0x36: {  	p1 =	seq.s32 s10, $0x1;
	s10 =	sld [smem:$0x3FB2];
	_ =	sdelay $0x3  }
0x37: {  	[smem:$0x3FB2] =	sst s10  }
0x38: {  	s10 =	sld [smem:$0x3FB3]  }
0x39: {  	_ = 	snop;
	(pc) =	sbr.ind lr, $3  }
0x3a: {  	_ = 	snop  }
0x3b: {  	_ = 	snop  }
0x3c: {  	p2 =	seq.s32 s10, $0x1;
	s10 =	sld [smem:$0x3FB2]  }
0x3d: {  	_ =	shalt  }
0x3e: {  	_ =	shalt  }
0x3f: {  	_ =	shalt  }
0x40: {  	_ =	shalt  }
0x41: {  	_ =	shalt  }
0x42: {  	_ =	shalt  }
0x43: {  	_ =	shalt  }
0x44: {  	_ =	shalt  }
0x45: {  	_ =	shalt  }
0x46: {  	_ =	shalt  }
0x47: {  	_ =	shalt  }
0x48: {  	_ =	shalt  }
0x49: {  	_ =	shalt  }
0x4a: {  	_ =	shalt  }
0x4b: {  	_ =	shalt  }
0x4c: {  	_ =	shalt  }
0x4d: {  	_ =	shalt  }
0x4e: {  	_ =	shalt  }
0x4f: {  	_ =	shalt  }
0x50: {  	_ =	shalt  }
0x51: {  	_ =	shalt  }
0x52: {  	_ =	shalt  }
0x53: {  	_ =	shalt  }
0x54: {  	_ =	shalt  }
0x55: {  	_ =	shalt  }
0x56: {  	_ =	shalt  }
0x57: {  	_ =	shalt  }
0x58: {  	_ =	shalt  }
0x59: {  	_ =	shalt  }
0x5a: {  	_ =	shalt  }
0x5b: {  	_ =	shalt  }
0x5c: {  	_ =	shalt  }
0x5d: {  	_ =	shalt  }
0x5e: {  	_ =	shalt  }
0x5f: {  	_ =	shalt  }
0x60: {  	_ =	shalt  }
0x61: {  	_ =	shalt  }
0x62: {  	_ =	shalt  }
0x63: {  	_ =	shalt  }
0x64: {  	_ =	shalt  }
0x65: {  	_ =	shalt  }
0x66: {  	_ =	shalt  }
0x67: {  	_ =	shalt  }
0x68: {  	_ =	shalt  }
0x69: {  	_ =	shalt  }
0x6a: {  	_ =	shalt  }
0x6b: {  	_ =	shalt  }
0x6c: {  	_ =	shalt  }
0x6d: {  	_ =	shalt  }
0x6e: {  	_ =	shalt  }
0x6f: {  	_ =	shalt  }
0x70: {  	_ =	shalt  }
0x71: {  	_ =	shalt  }
0x72: {  	_ =	shalt  }
0x73: {  	_ =	shalt  }
0x74: {  	_ =	shalt  }
0x75: {  	_ =	shalt  }
0x76: {  	_ =	shalt  }
0x77: {  	_ =	shalt  }
0x78: {  	_ =	shalt  }
0x79: {  	_ =	shalt  }
0x7a: {  	_ =	shalt  }
0x7b: {  	_ =	shalt  }
0x7c: {  	_ =	shalt  }
0x7d: {  	_ =	shalt  }
0x7e: {  	_ =	shalt  }
0x7f: {  	_ =	shalt  }
0x80: {  	_ =	shalt  }
0x81: {  	_ =	shalt  }
0x82: {  	_ =	shalt  }
0x83: {  	_ =	shalt  }
0x84: {  	_ =	shalt  }
0x85: {  	_ =	shalt  }
0x86: {  	_ =	shalt  }
0x87: {  	_ =	shalt  }
.Lfunc_end0:
.L_simem_size_0:
called_computation_lowered:
.L_overlay_start_0:
0x88: {  	s2 =	sld [smem:$0x3FD9]  }
0x89: {  	s3 =	sld [smem:$0x3FFE];
	_ =	sdelay $0x1  }
0x8a: {  	s1 =	srdreg.scid  }
0x8b: {  	s0 =	sand.u32 $0x1, s1  }
0x8c: {  	s17 =	sshll.u32 s0, $0xA;
	s2 =	sadd.s32 s3, s2  }
0x8d: {  	s2 =	sadd.s32 s2, s17  }
0x8e: {  	[smem:$0x3FBE] =	sst s2  }
0x8f: {  	_ = 	snop  }
0x90: {  	s2 =	sld [smem:$0x3FC9];
	(tm) =	ssettm $0x1  }
0x91: {  	s18 =	sld [smem:$0x3FFB];
	_ =	sdelay $0x3  }
0x92: {  	_ =	strace s18  }
0x93: {  	s3 =	sld [smem:$0x3FFC];
	_ =	sdelay $0x3  }
0x94: {  	_ =	strace s3  }
0x95: {  	s3 =	sld [smem:$0x3FFD];
	_ =	sdelay $0x3  }
0x96: {  	_ =	strace s3  }
0x97: {  	_ =	strace $0x8FFFFFFF  }
0x98: {  	s19 =	sld [smem:$0x3FDB];
	_ =	sdelay $0x1  }
0x99: {  	s4 =	simm.s32 $_scs_section_size  }
0x9a: {  	s5 =	simm.s32 $_size__tile_overlayer_lowered;
	s6 =	simm.s32 $_tile_overlayer_lowered  }
0x9b: {  	s22 =	simm.s32 $0x1BFF;
	s21 =	sshll.u32 s6, $0x1;
	s3 =	sadd.s32 s4, s19  }
0x9c: {  	s7 =	simm.s32 $0x0;
	s20 =	sshll.u32 s5, $0x1;
	s5 =	sadd.s32 s21, s3  }
0x9d: {  	[timem:s7], [sflag:s22] =	dma.local [hbm:s5], s20  }
0x9e: {  	_ =	swait.ge [sflag:s22], s20  }
0x9f: {  	s4 =	ssub.s32 $0x0, s20;
	[sflag:s22] =	ssyncset.done $0x0  }
0xa0: {  	[sflag:s22] =	ssyncadd.s32 s4;
	_ =	sdelay $0x1  }
0xa1: {  	s23 =	simm.s32 $0x1B8B  }
0xa2: {  	_ =	swait.ge [sflag:s23], $0x1  }
0xa3: {  	[sflag:s23] =	ssyncset.done $0x0  }
0xa4: {  	s25 =	simm.s32 $0x1B8E;
	s24 =	sld [smem:$0x3FFE];
	[sflag:s23] =	ssyncadd.s32 $0xFFFFFFFF  }
0xa5: {  	s26 =	simm.s32 $execute0_lowered;
	[smem:$0x3FD2] =	sst s25  }
0xa6: {  	s5 =	sshll.u32 s26, $0x1;
	_ =	strace $0x80000046;
	[dreg:$0x1] =	wrdreg $0xFFFFFFFF  }
0xa7: {  	s28 =	simm.s32 $_size_execute0_lowered;
	s3 =	sadd.s32 s3, s5;
	[dreg:$0x0] =	wrdreg $0x0  }
0xa8: {  	s5 =	sshll.u32 s28, $0x1;
	[dreg:$0x2] =	wrdreg s3  }
0xa9: {  	[dreg:$0x3] =	wrdreg s5  }
0xaa: {  	[dreg:$0x4] =	wrdreg $0xC0  }
0xab: {  	_ =	task [dreg:s7], $0x5FFFF  }
0xac: {  	[dreg:$0x1] =	wrdreg $0xFFFFFFFF  }
0xad: {  	[dreg:$0x0] =	wrdreg $0x60  }
0xae: {  	[dreg:$0x2] =	wrdreg s2  }
0xaf: {  	[dreg:$0x3] =	wrdreg s24  }
0xb0: {  	[dreg:$0x4] =	wrdreg $0x9  }
0xb1: {  	_ =	task.clear_ibuf [dreg:s7], $0x5FFFF;
	_ =	strace $0x90000046  }
0xb2: {  	s29 =	simm.s32 $0x9;
	_ =	strace $0x80000048  }
0xb3: {  	_ =	swait.ge [sflag:s29], $0x1  }
0xb4: {  	[sflag:s29] =	ssyncadd.s32 $0xFFFFFFFF  }
0xb5: {  	_ =	strace $0x90000048  }
0xb6: {  	_ =	sfence  }
0xb7: {  	s30 =	sld [smem:$0x0];
	_ =	sdelay $0x2  }
0xb8: {  	s31 =	sshll.u32 s1, $0xD;
	s1 =	sshrl.u32 s1, $0x2  }
0xb9: {  	s3 =	sand.u32 $0x4000, s31;
	s1 =	sadd.s32 s1, s30  }
0xba: {  	s0 =	sor.u32 s3, s0;
	s1 =	sshll.u32 s1, $0x11  }
0xbb: {  	s0 =	sor.u32 s1, s0  }
0xbc: {  	s0 =	sadd.s32 $0x8F2B, s0  }
0xbd: {  	[sflag:s0] =	ssyncadd.remote.s32 $0x1  }
0xbe: {  	_ =	sfence.sel $0xFFFF  }
0xbf: {  	[dreg:$0x0] =	wrdreg $0xFFFFFFFF;
	(pc) =	sbr.abs _section_cstart, $3  }
0xc0: {  	[dreg:$0x1] =	wrdreg $0xFFFFFFFF  }
0xc1: {  	_ =	task.clear_ibuf [dreg:s7], $0x2FFFF;
	_ =	strace $0x9FFFFFFF  }
0xc2: {  	(tm) =	ssettm $0x7FFFFFFF  }
0xc3: {  	_ =	shalt  }
tec
execute0_lowered:
.L_overlay_start_1:
0x0: {  	(tag) =	ssettag $0x1  }
0x1: {  	s3 =	rddreg [dreg:$0x0]  }
0x2: {  	s10 =	rddreg [dreg:$0x1];
	s1 =	srdreg.scid  }
0x3: {  	s0 =	rddreg [dreg:$0x2];
	s15 =	sand.u32 $0x1, s1  }
0x4: {  	s2 =	simm.s32 $0x0;
	s1 =	stileid.u32;
	s4 =	sshll.u32 s15, $0x6  }
0x5: {  	[smem:$0x7FF] =	sst s2;
	s5 =	sshll.u32 s1, $0x7;
	s3 =	sadd.s32 s3, s4  }
0x6: {  	_ =	strace $0x80000047;
	s4 =	sadd.s32 s5, s3;
	s3 =	simm.s32 $0x2  }
0x7: {  	[tilespmem:s2], [sflag:$0x2] =	stream.linear.gather [hbm4b:s4+s2], $0x200, $0x38;
	[tilespmem:$0x8200] =	vst v63  }
0x8: {  	_ =	swait.ge [sflag:s3], $0x200  }
0x9: {  	s6 =	simm.s32 $0x80;
	s7 =	simm.s32 $0x200;
	[sflag:s3] =	ssyncset.done $0x0  }
0xa: {  	s8 =	simm.s32 $0x4200;
	s5 =	sadd.s32 $0xF43A00, s10;
	[sflag:s3] =	ssyncadd.s32 $0xFFFFFE00  }
0xb: {  	[tilespmem:s7], [sflag:$0x1] =	stream.indirect.gather [hbm4b:s5+s6], $0x80, s2, s6, $0xb8;
	[tilespmem:$0x8200] =	vst v63  }
0xc: {  	s9 =	simm.s32 $0x1;
	s11 =	sshll.u32 s1, $0xE;
	s12 =	sshll.u32 s15, $0xD  }
0xd: {  	[tilespmem:s8], [sflag:$0x1] =	stream.indirect.gather [hbm4b:s5+s6], $0x80, s6, s6, $0xb8;
	[tilespmem:$0x8200] =	vst v63  }
0xe: {  	s11 =	sor.u32 s12, s11;
	_ =	swait.ge [sflag:s9], $0x4000  }
0xf: {  	s16 =	sadd.s32 s11, s10;
	[sflag:s9] =	ssyncset.done $0x0  }
0x10: {  	s10 =	sadd.s32 $0x1600, s16;
	[sflag:s9] =	ssyncadd.s32 $0xFFFFC000  }
0x11: {  	[hbm4b:s10+s2] =	stream.linear.scatter [tilespmem:s7], [sflag:$0x2], $0x4000, $0x38;
	[tilespmem:$0x8200] =	vst v63  }
0x12: {  	_ =	swait.ge [sflag:s3], $0x4000  }
0x13: {  	[sflag:s3] =	ssyncset.done $0x0  }
0x14: {  	s11 =	simm.s32 $0x100;
	[sflag:s3] =	ssyncadd.s32 $0xFFFFC000  }
0x15: {  	[tilespmem:s7], [sflag:$0x1] =	stream.indirect.gather [hbm4b:s5+s6], $0x80, s11, s6, $0xb8;
	[tilespmem:$0x8200] =	vst v63  }
0x16: {  	_ =	swait.ge [sflag:s9], $0x4000  }
0x17: {  	[sflag:s9] =	ssyncset.done $0x0  }
0x18: {  	s12 =	sadd.s32 $0x1E00, s16;
	[sflag:s9] =	ssyncadd.s32 $0xFFFFC000  }
0x19: {  	[hbm4b:s12+s2] =	stream.linear.scatter [tilespmem:s8], [sflag:$0x2], $0x4000, $0x38;
	[tilespmem:$0x8200] =	vst v63  }
0x1a: {  	_ =	swait.ge [sflag:s3], $0x4000  }
0x1b: {  	[sflag:s3] =	ssyncset.done $0x0  }
0x1c: {  	s13 =	simm.s32 $0x180;
	[sflag:s3] =	ssyncadd.s32 $0xFFFFC000  }
0x1d: {  	[tilespmem:s8], [sflag:$0x1] =	stream.indirect.gather [hbm4b:s5+s6], $0x80, s13, s6, $0xb8;
	[tilespmem:$0x8200] =	vst v63  }
0x1e: {  	_ =	swait.ge [sflag:s9], $0x4000  }
0x1f: {  	[sflag:s9] =	ssyncset.done $0x0  }
0x20: {  	s15 =	ssub.s32 $0x2, s15;
	s14 =	sadd.s32 $0x2600, s16;
	[sflag:s9] =	ssyncadd.s32 $0xFFFFC000  }
0x21: {  	[hbm4b:s14+s2] =	stream.linear.scatter [tilespmem:s7], [sflag:$0x2], $0x4000, $0x38;
	[tilespmem:$0x8200] =	vst v63  }
0x22: {  	s17 =	sshrl.u32 s15, $0x1;
	_ =	swait.ge [sflag:s3], $0x4000  }
0x23: {  	s17 =	ssub.s32 s15, s17;
	[sflag:s3] =	ssyncset.done $0x0  }
0x24: {  	s31 =	smax.u32 s17, $0x1;
	[sflag:s3] =	ssyncadd.s32 $0xFFFFC000  }
0x25: {  	p0 =	sne.s32 s31, $0x1;
	_ =	swait.ge [sflag:s9], $0x4000  }
.Ltmp0:
0x26: {  	[sflag:s9] =	ssyncset.done $0x0;
	(pc) =	sbr.rel @!p0 .LBB2_2-.Ltmp0, $4  }
0x27: {  	s15 =	sadd.s32 $0x2E00, s16;
	[sflag:s9] =	ssyncadd.s32 $0xFFFFC000  }
0x28: {  	[hbm4b:s15+s2] =	stream.linear.scatter [tilespmem:s8], [sflag:$0x2], $0x4000, $0x38;
	[tilespmem:$0x8200] =	vst v63  }
0x29: {  	_ =	swait.ge [sflag:s3], $0x4000  }
0x2a: {  	s16 =	sadd.s32 $0xFFFFFFFF, s31;
	[sflag:s3] =	ssyncset.done $0x0  }
.LBB2_1:
0x2b: {  	p0 =	sne.s32 s16, $0x1;
	s16 =	sadd.s32 $0xFFFFFFFF, s16;
	[sflag:s3] =	ssyncadd.s32 $0xFFFFC000  }
0x2c: {  	[tilespmem:s2], [sflag:$0x2] =	stream.linear.gather [hbm4b:s4+s2], $0x200, $0x38;
	[tilespmem:$0x8200] =	vst v63  }
0x2d: {  	_ =	swait.ge [sflag:s3], $0x200  }
0x2e: {  	[sflag:s3] =	ssyncset.done $0x0  }
0x2f: {  	[sflag:s3] =	ssyncadd.s32 $0xFFFFFE00  }
0x30: {  	[tilespmem:s7], [sflag:$0x1] =	stream.indirect.gather [hbm4b:s5+s6], $0x80, s2, s6, $0xb8;
	[tilespmem:$0x8200] =	vst v63  }
0x31: {  	_ = 	snop  }
0x32: {  	[tilespmem:s8], [sflag:$0x1] =	stream.indirect.gather [hbm4b:s5+s6], $0x80, s6, s6, $0xb8;
	[tilespmem:$0x8200] =	vst v63  }
0x33: {  	_ =	swait.ge [sflag:s9], $0x4000  }
0x34: {  	[sflag:s9] =	ssyncset.done $0x0  }
0x35: {  	[sflag:s9] =	ssyncadd.s32 $0xFFFFC000  }
0x36: {  	[hbm4b:s10+s2] =	stream.linear.scatter [tilespmem:s7], [sflag:$0x2], $0x4000, $0x38;
	[tilespmem:$0x8200] =	vst v63  }
0x37: {  	_ =	swait.ge [sflag:s3], $0x4000  }
0x38: {  	[sflag:s3] =	ssyncset.done $0x0  }
0x39: {  	[sflag:s3] =	ssyncadd.s32 $0xFFFFC000  }
0x3a: {  	[tilespmem:s7], [sflag:$0x1] =	stream.indirect.gather [hbm4b:s5+s6], $0x80, s11, s6, $0xb8;
	[tilespmem:$0x8200] =	vst v63  }
0x3b: {  	_ =	swait.ge [sflag:s9], $0x4000  }
0x3c: {  	[sflag:s9] =	ssyncset.done $0x0  }
0x3d: {  	[sflag:s9] =	ssyncadd.s32 $0xFFFFC000  }
0x3e: {  	[hbm4b:s12+s2] =	stream.linear.scatter [tilespmem:s8], [sflag:$0x2], $0x4000, $0x38;
	[tilespmem:$0x8200] =	vst v63  }
0x3f: {  	_ =	swait.ge [sflag:s3], $0x4000  }
0x40: {  	[sflag:s3] =	ssyncset.done $0x0  }
0x41: {  	[sflag:s3] =	ssyncadd.s32 $0xFFFFC000  }
0x42: {  	[tilespmem:s8], [sflag:$0x1] =	stream.indirect.gather [hbm4b:s5+s6], $0x80, s13, s6, $0xb8;
	[tilespmem:$0x8200] =	vst v63  }
0x43: {  	_ =	swait.ge [sflag:s9], $0x4000  }
0x44: {  	[sflag:s9] =	ssyncset.done $0x0  }
0x45: {  	[sflag:s9] =	ssyncadd.s32 $0xFFFFC000  }
0x46: {  	[hbm4b:s14+s2] =	stream.linear.scatter [tilespmem:s7], [sflag:$0x2], $0x4000, $0x38;
	[tilespmem:$0x8200] =	vst v63  }
0x47: {  	_ =	swait.ge [sflag:s3], $0x4000  }
0x48: {  	[sflag:s3] =	ssyncset.done $0x0  }
0x49: {  	[sflag:s3] =	ssyncadd.s32 $0xFFFFC000  }
0x4a: {  	_ =	swait.ge [sflag:s9], $0x4000  }
.Ltmp1:
0x4b: {  	[sflag:s9] =	ssyncset.done $0x0;
	(pc) =	sbr.rel @p0 .LBB2_1-.Ltmp1, $4  }
0x4c: {  	[sflag:s9] =	ssyncadd.s32 $0xFFFFC000  }
0x4d: {  	[hbm4b:s15+s2] =	stream.linear.scatter [tilespmem:s8], [sflag:$0x2], $0x4000, $0x38;
	[tilespmem:$0x8200] =	vst v63  }
0x4e: {  	_ =	swait.ge [sflag:s3], $0x4000  }
0x4f: {  	[sflag:s3] =	ssyncset.done $0x0  }
.LBB2_2:
0x50: {  	[sflag:s3] =	ssyncadd.s32 $0xFFFFC000  }
0x51: {  	_ =	sfence.sel $0x180000  }
0x52: {  	[bflag:$0x0] =	sbarrier.arrive $0xFFFF  }
0x53: {  	p0 =	sne.s32 s1, $0x0;
	_ =	strace $0x90000047  }
0x54: {  	s0 =	sadd.s32 @!p0 $0x100000, s0;
	[bflag:$0x2] =	sbarrier.arrive $0xFFFF  }
0x55: {  	[sflag:s0] =	ssyncadd.tile.s32 @!p0 $0x1;
	_ =	shalt  }
.Lfunc_end2:
_tile_overlayer_lowered:
.L_overlay_start_2:
0x56: {  	(tag) =	ssettag $0x2  }
0x57: {  	s0 =	rddreg [dreg:$0x0];
	s2 =	stileid.u32  }
0x58: {  	s1 =	rddreg [dreg:$0x1];
	p0 =	sne.s32 s2, $0x0  }
0x59: {  	s3 =	rddreg [dreg:$0x2];
	[bflag:$0x3] =	sbarrier.arrive $0xFFFF;
	s2 =	simm.s32 @!p0 $0x1C02  }
0x5a: {  	[timem:s3], [sflag:s2] =	dma.local @!p0 [hbm:s0], s1  }
0x5b: {  	s0 =	simm.s32 @!p0 $0x2  }
0x5c: {  	_ =	swait.ge @!p0 [sflag:s0], s1  }
0x5d: {  	s1 =	ssub.s32 @!p0 $0x0, s1;
	[sflag:s0] =	ssyncset.done @!p0 $0x0  }
0x5e: {  	[sflag:s0] =	ssyncadd.s32 @!p0 s1  }
0x5f: {  	[bflag:$0x3] =	sbarrier.arrive $0xFFFF  }
0x60: {  	_ =	shalt  }

</sc_bundles>
